<compile_context>
chip_gen: v7x
topology: tpu7x:2x2x1
jax: 0.10.2.dev20260603
libtpu: 0.0.44.dev20260713+nightly
codegen_flags: <defaults>
</compile_context>

<pallas_src>
import functools

import jax
import jax.numpy as jnp
from jax import lax
from jax.experimental import pallas as pl
from jax.experimental.pallas import tpu as pltpu
from jax.experimental.pallas import tpu_sc as plsc

B = 16384
F = 26
V = 100000
D = 32
BH = B // 2

NC, NS = 2, 16
NW = NC * NS


def _make_kernel():
    mesh = plsc.VectorSubcoreMesh(core_axis_name="c", subcore_axis_name="s")

    @functools.partial(
        pl.kernel,
        mesh=mesh,
        out_type=jax.ShapeDtypeStruct((F * D, B), jnp.float32),
        compiler_params=pltpu.CompilerParams(needs_layout_passes=False),
        scratch_types=[
            pltpu.VMEM((V,), jnp.float32),
            pltpu.VMEM((B,), jnp.int32),
            pltpu.VMEM((BH,), jnp.float32),
            pltpu.SemaphoreType.DMA,
            pltpu.SemaphoreType.DMA,
        ],
    )
    def gather_kernel(
        idx_hbm, tab_hbm, out_hbm, row_v, idx_v, out_v, sem_row, sem_idx
    ):
        d = lax.axis_index("s") * NC + lax.axis_index("c")

        pltpu.async_copy(tab_hbm.at[0, d], row_v, sem_row)
        pltpu.async_copy(idx_hbm.at[0], idx_v, sem_idx)

        def field_body(f, carry):
            pltpu.make_async_copy(tab_hbm.at[f, d], row_v, sem_row).wait()
            pltpu.make_async_copy(idx_hbm.at[f], idx_v, sem_idx).wait()

            for h in (0, 1):
                base = h * BH

                @plsc.parallel_loop(0, BH, 16, unroll=16)
                def vec_body(i):
                    iv = idx_v[pl.ds(base + i, 16)]
                    out_v[pl.ds(i, 16)] = plsc.load_gather(row_v, [iv])

                if h == 1:
                    @pl.when(f + 1 < F)
                    def _():
                        pltpu.async_copy(tab_hbm.at[f + 1, d], row_v, sem_row)
                        pltpu.async_copy(idx_hbm.at[f + 1], idx_v, sem_idx)
                pltpu.sync_copy(
                    out_v, out_hbm.at[f * D + d, pl.ds(base, BH)]
                )
            return carry

        lax.fori_loop(0, F, field_body, 0)

    return gather_kernel


_gather = _make_kernel()


def kernel(indices, tables):
    idx_t = indices.T
    tab_t = tables.transpose(0, 2, 1)
    out_t = _gather(idx_t, tab_t)
    return out_t.T

# --- scband reference (transcript-rebuilt; emitter-appended) ---
"""Pipeline reference for scband-dense-features-compat-31336081392172 (READ-ONLY COPY).

The authoritative reference and input builder live on the scoring server;
editing this copy changes nothing except your own understanding.
"""

import jax, jax.numpy as jnp
import numpy as np

B = 16384   # batch
F = 26      # n_sparse_fields
V = 100000  # vocab per field
D = 32      # embedding_dim


def setup_inputs(seed: int = 0) -> dict:
    key = jax.random.key(seed)
    k1, k2 = jax.random.split(key)
    # categorical ids for each of the F sparse fields
    indices = jax.random.randint(k1, (B, F), 0, V, dtype=jnp.int32)
    # learned embedding tables, one per feature column (stacked)
    tables = jax.random.normal(k2, (F, V, D), dtype=jnp.float32) * 0.05
    return {"indices": indices, "tables": tables}


def reference(indices, tables):
    # Faithful translation of DenseFeatures over F embedding_columns:
    # each field's id is looked up in its own table, results are concatenated
    # along the feature axis in column order -> [B, F*D].
    F_, V_, D_ = tables.shape
    B_ = indices.shape[0]
    flat_tables = tables.reshape(F_ * V_, D_)
    # offset each field's ids into the stacked table
    offsets = (jnp.arange(F_, dtype=indices.dtype) * V_)[None, :]
    flat_idx = (indices + offsets).reshape(-1)
    emb = jnp.take(flat_tables, flat_idx, axis=0)  # [B*F, D] gather (SparseCore-mappable)
    return emb.reshape(B_, F_ * D_)

if __name__ == "__main__":
    import jax
    _d = setup_inputs()
    print(jax.jit(kernel)(*tuple(_d.values())))

</pallas_src>

<mosaic_0001>
#map = affine_map<(d0, d1) -> (0, 0)>
#map1 = affine_map<(d0, d1) -> (0, 0, 0)>
module attributes {stable_mosaic.version = 14 : i64} {
  func.func @gather_kernel(%arg0: i32, %arg1: i32, %arg2: memref<26x16384xi32, #tpu.memory_space<hbm>>, %arg3: memref<26x32x100000xf32, #tpu.memory_space<hbm>>, %arg4: memref<832x16384xf32, #tpu.memory_space<hbm>>, %arg5: memref<100000xf32, #tpu.memory_space<vmem>>, %arg6: memref<16384xi32, #tpu.memory_space<vmem>>, %arg7: memref<8192xf32, #tpu.memory_space<vmem>>, %arg8: memref<!tpu.dma_semaphore, #tpu.memory_space<semaphore_mem>>, %arg9: memref<!tpu.dma_semaphore, #tpu.memory_space<semaphore_mem>>) attributes {dimension_semantics = [#tpu.dimension_semantics<core_parallel>, #tpu.dimension_semantics<subcore_parallel>], iteration_bounds = array<i64: 2, 16>, scalar_prefetch = 0 : i64, scratch_operands = 5 : i64, tpu.core_type = #tpu.core_type<sc_vector_subcore>, window_params = [{transform_indices = #map}, {transform_indices = #map1}, {transform_indices = #map}]} {
    %mul3A = arith.constant 2 : i32
    %mul3A_0 = arith.muli %arg1, %mul3A : i32
    %add3A = arith.addi %mul3A_0, %arg0 : i32
    %dma_start3A = arith.constant 0 : i32
    %dma_start3A_1 = arith.constant 0 : i32
    %dma_start3A_2 = tpu.memref_slice %arg3[%dma_start3A, %add3A, %dma_start3A_1] : memref<26x32x100000xf32, #tpu.memory_space<hbm>> -> memref<1x1x100000xf32, #tpu.memory_space<hbm>>
    %dma_start3A_3 = tpu.memref_squeeze %dma_start3A_2 : memref<1x1x100000xf32, #tpu.memory_space<hbm>> -> memref<100000xf32, #tpu.memory_space<hbm>>
    %dma_start3A_4 = arith.constant 0 : i32
    %dma_start3A_5 = tpu.memref_slice %arg3[%dma_start3A, %add3A, %dma_start3A_4] : memref<26x32x100000xf32, #tpu.memory_space<hbm>> -> memref<1x1x100000xf32, #tpu.memory_space<hbm>>
    %dma_start3A_6 = tpu.memref_squeeze %dma_start3A_5 : memref<1x1x100000xf32, #tpu.memory_space<hbm>> -> memref<100000xf32, #tpu.memory_space<hbm>>
    tpu.enqueue_dma source(%dma_start3A_6 : memref<100000xf32, #tpu.memory_space<hbm>>) target(%arg5 : memref<100000xf32, #tpu.memory_space<vmem>>) target_semaphore(%arg8 : memref<!tpu.dma_semaphore, #tpu.memory_space<semaphore_mem>>)
    %dma_start3A_7 = arith.constant 0 : i32
    %dma_start3A_8 = arith.constant 0 : i32
    %dma_start3A_9 = tpu.memref_slice %arg2[%dma_start3A_7, %dma_start3A_8] : memref<26x16384xi32, #tpu.memory_space<hbm>> -> memref<1x16384xi32, #tpu.memory_space<hbm>>
    %dma_start3A_10 = tpu.memref_squeeze %dma_start3A_9 : memref<1x16384xi32, #tpu.memory_space<hbm>> -> memref<16384xi32, #tpu.memory_space<hbm>>
    %dma_start3A_11 = arith.constant 0 : i32
    %dma_start3A_12 = tpu.memref_slice %arg2[%dma_start3A_7, %dma_start3A_11] : memref<26x16384xi32, #tpu.memory_space<hbm>> -> memref<1x16384xi32, #tpu.memory_space<hbm>>
    %dma_start3A_13 = tpu.memref_squeeze %dma_start3A_12 : memref<1x16384xi32, #tpu.memory_space<hbm>> -> memref<16384xi32, #tpu.memory_space<hbm>>
    tpu.enqueue_dma source(%dma_start3A_13 : memref<16384xi32, #tpu.memory_space<hbm>>) target(%arg6 : memref<16384xi32, #tpu.memory_space<vmem>>) target_semaphore(%arg9 : memref<!tpu.dma_semaphore, #tpu.memory_space<semaphore_mem>>)
    %scan3A = arith.constant 0 : i32
    %scan3A_14 = arith.constant 0 : i32
    %scan3A_15 = arith.constant 26 : i32
    %scan3A_16 = arith.addi %scan3A_14, %scan3A_15 : i32
    %scan3A_17 = arith.constant 1 : i32
    scf.for %scan3A_19 = %scan3A_14 to %scan3A_16 step %scan3A_17  : i32 {
      %dma_wait3A = arith.constant 0 : i32
      %dma_wait3A_20 = tpu.memref_slice %arg3[%scan3A_19, %add3A, %dma_wait3A] : memref<26x32x100000xf32, #tpu.memory_space<hbm>> -> memref<1x1x100000xf32, #tpu.memory_space<hbm>>
      %dma_wait3A_21 = tpu.memref_squeeze %dma_wait3A_20 : memref<1x1x100000xf32, #tpu.memory_space<hbm>> -> memref<100000xf32, #tpu.memory_space<hbm>>
      %dma_wait3A_22 = arith.constant 0 : i32
      %dma_wait3A_23 = tpu.memref_slice %arg3[%scan3A_19, %add3A, %dma_wait3A_22] : memref<26x32x100000xf32, #tpu.memory_space<hbm>> -> memref<1x1x100000xf32, #tpu.memory_space<hbm>>
      %dma_wait3A_24 = tpu.memref_squeeze %dma_wait3A_23 : memref<1x1x100000xf32, #tpu.memory_space<hbm>> -> memref<100000xf32, #tpu.memory_space<hbm>>
      tpu.wait_dma2 semaphore(%arg8 : memref<!tpu.dma_semaphore, #tpu.memory_space<semaphore_mem>>) src(%dma_wait3A_24 : memref<100000xf32, #tpu.memory_space<hbm>>) dst(%arg5 : memref<100000xf32, #tpu.memory_space<vmem>>)
      %dma_wait3A_25 = arith.constant 0 : i32
      %dma_wait3A_26 = tpu.memref_slice %arg2[%scan3A_19, %dma_wait3A_25] : memref<26x16384xi32, #tpu.memory_space<hbm>> -> memref<1x16384xi32, #tpu.memory_space<hbm>>
      %dma_wait3A_27 = tpu.memref_squeeze %dma_wait3A_26 : memref<1x16384xi32, #tpu.memory_space<hbm>> -> memref<16384xi32, #tpu.memory_space<hbm>>
      %dma_wait3A_28 = arith.constant 0 : i32
      %dma_wait3A_29 = tpu.memref_slice %arg2[%scan3A_19, %dma_wait3A_28] : memref<26x16384xi32, #tpu.memory_space<hbm>> -> memref<1x16384xi32, #tpu.memory_space<hbm>>
      %dma_wait3A_30 = tpu.memref_squeeze %dma_wait3A_29 : memref<1x16384xi32, #tpu.memory_space<hbm>> -> memref<16384xi32, #tpu.memory_space<hbm>>
      tpu.wait_dma2 semaphore(%arg9 : memref<!tpu.dma_semaphore, #tpu.memory_space<semaphore_mem>>) src(%dma_wait3A_30 : memref<16384xi32, #tpu.memory_space<hbm>>) dst(%arg6 : memref<16384xi32, #tpu.memory_space<vmem>>)
      %parallel_loop3A = arith.constant 0 : i32
      %parallel_loop3A_31 = arith.constant 8192 : i32
      %parallel_loop3A_32 = arith.constant 16 : i32
      scf.for %parallel_loop3A_46 = %parallel_loop3A to %parallel_loop3A_31 step %parallel_loop3A_32  : i32 {
        %parallel_loop3A_47 = arith.constant 0 : i32
        %parallel_loop3A_48 = arith.addi %parallel_loop3A_47, %parallel_loop3A_46 : i32
        %parallel_loop3A_49 = arith.index_cast %parallel_loop3A_48 : i32 to index
        %parallel_loop3A_50 = tpu.vector_load %arg6[%parallel_loop3A_49] {strides = array<i32>} : memref<16384xi32, #tpu.memory_space<vmem>>, vector<16xi32>,
        %parallel_loop3A_51 = tpu.vector_load_idx %arg5[%parallel_loop3A_50] : memref<100000xf32, #tpu.memory_space<vmem>>[vector<16xi32>], vector<16xf32>,
        %parallel_loop3A_52 = arith.index_cast %parallel_loop3A_46 : i32 to index
        %parallel_loop3A_53 = tpu.vector_load %arg7[%parallel_loop3A_52] {strides = array<i32>} : memref<8192xf32, #tpu.memory_space<vmem>>, vector<16xf32>,
        tpu.vector_store %arg7[%parallel_loop3A_52], %parallel_loop3A_51 {strides = array<i32>} : memref<8192xf32, #tpu.memory_space<vmem>>, vector<16xf32>,
      } {sc.loop_unroll_factor = 16 : i64, sc.parallel_access}
      %mul3A_33 = arith.constant 32 : i32
      %mul3A_34 = arith.muli %scan3A_19, %mul3A_33 : i32
      %add3A_35 = arith.addi %mul3A_34, %add3A : i32
      "tpu.region"() ({
        %run_scoped3A = tpu.sem_alloc : memref<!tpu.dma_semaphore, #tpu.memory_space<semaphore_mem>>
        %dma_start3A_46 = arith.constant 0 : i32
        %dma_start3A_47 = tpu.memref_slice %arg4[%add3A_35, %dma_start3A_46] : memref<832x16384xf32, #tpu.memory_space<hbm>> -> memref<1x8192xf32, #tpu.memory_space<hbm>>
        %dma_start3A_48 = tpu.memref_squeeze %dma_start3A_47 : memref<1x8192xf32, #tpu.memory_space<hbm>> -> memref<8192xf32, #tpu.memory_space<hbm>>
        %dma_start3A_49 = arith.constant 0 : i32
        %dma_start3A_50 = tpu.memref_slice %arg4[%add3A_35, %dma_start3A_49] : memref<832x16384xf32, #tpu.memory_space<hbm>> -> memref<1x8192xf32, #tpu.memory_space<hbm>>
        %dma_start3A_51 = tpu.memref_squeeze %dma_start3A_50 : memref<1x8192xf32, #tpu.memory_space<hbm>> -> memref<8192xf32, #tpu.memory_space<hbm>>
        tpu.enqueue_dma source(%arg7 : memref<8192xf32, #tpu.memory_space<vmem>>) target(%dma_start3A_51 : memref<8192xf32, #tpu.memory_space<hbm>>) target_semaphore(%run_scoped3A : memref<!tpu.dma_semaphore, #tpu.memory_space<semaphore_mem>>)
        %dma_wait3A_52 = arith.constant 0 : i32
        %dma_wait3A_53 = tpu.memref_slice %arg4[%add3A_35, %dma_wait3A_52] : memref<832x16384xf32, #tpu.memory_space<hbm>> -> memref<1x8192xf32, #tpu.memory_space<hbm>>
        %dma_wait3A_54 = tpu.memref_squeeze %dma_wait3A_53 : memref<1x8192xf32, #tpu.memory_space<hbm>> -> memref<8192xf32, #tpu.memory_space<hbm>>
        %dma_wait3A_55 = arith.constant 0 : i32
        %dma_wait3A_56 = tpu.memref_slice %arg4[%add3A_35, %dma_wait3A_55] : memref<832x16384xf32, #tpu.memory_space<hbm>> -> memref<1x8192xf32, #tpu.memory_space<hbm>>
        %dma_wait3A_57 = tpu.memref_squeeze %dma_wait3A_56 : memref<1x8192xf32, #tpu.memory_space<hbm>> -> memref<8192xf32, #tpu.memory_space<hbm>>
        tpu.wait_dma2 semaphore(%run_scoped3A : memref<!tpu.dma_semaphore, #tpu.memory_space<semaphore_mem>>) src(%arg7 : memref<8192xf32, #tpu.memory_space<vmem>>) dst(%dma_wait3A_57 : memref<8192xf32, #tpu.memory_space<hbm>>)
        tpu.yield
      }) : () -> ()
      %parallel_loop3A_36 = arith.constant 0 : i32
      %parallel_loop3A_37 = arith.constant 8192 : i32
      %parallel_loop3A_38 = arith.constant 16 : i32
      scf.for %parallel_loop3A_46 = %parallel_loop3A_36 to %parallel_loop3A_37 step %parallel_loop3A_38  : i32 {
        %parallel_loop3A_47 = arith.constant 8192 : i32
        %parallel_loop3A_48 = arith.addi %parallel_loop3A_47, %parallel_loop3A_46 : i32
        %parallel_loop3A_49 = arith.index_cast %parallel_loop3A_48 : i32 to index
        %parallel_loop3A_50 = tpu.vector_load %arg6[%parallel_loop3A_49] {strides = array<i32>} : memref<16384xi32, #tpu.memory_space<vmem>>, vector<16xi32>,
        %parallel_loop3A_51 = tpu.vector_load_idx %arg5[%parallel_loop3A_50] : memref<100000xf32, #tpu.memory_space<vmem>>[vector<16xi32>], vector<16xf32>,
        %parallel_loop3A_52 = arith.index_cast %parallel_loop3A_46 : i32 to index
        %parallel_loop3A_53 = tpu.vector_load %arg7[%parallel_loop3A_52] {strides = array<i32>} : memref<8192xf32, #tpu.memory_space<vmem>>, vector<16xf32>,
        tpu.vector_store %arg7[%parallel_loop3A_52], %parallel_loop3A_51 {strides = array<i32>} : memref<8192xf32, #tpu.memory_space<vmem>>, vector<16xf32>,
      } {sc.loop_unroll_factor = 16 : i64, sc.parallel_access}
      %add3A_39 = arith.constant 1 : i32
      %add3A_40 = arith.addi %scan3A_19, %add3A_39 : i32
      %lt3A = arith.constant 26 : i32
      %lt3A_41 = arith.cmpi slt, %add3A_40, %lt3A : i32
      %convert_element_type3A = arith.extui %lt3A_41 : i1 to i32
      %cond3A = arith.constant 0 : i32
      %cond3A_42 = arith.cmpi ne, %convert_element_type3A, %cond3A : i32
      scf.if %cond3A_42 {
        %add3A_46 = arith.constant 1 : i32
        %add3A_47 = arith.addi %scan3A_19, %add3A_46 : i32
        %dma_start3A_48 = arith.constant 0 : i32
        %dma_start3A_49 = tpu.memref_slice %arg3[%add3A_47, %add3A, %dma_start3A_48] : memref<26x32x100000xf32, #tpu.memory_space<hbm>> -> memref<1x1x100000xf32, #tpu.memory_space<hbm>>
        %dma_start3A_50 = tpu.memref_squeeze %dma_start3A_49 : memref<1x1x100000xf32, #tpu.memory_space<hbm>> -> memref<100000xf32, #tpu.memory_space<hbm>>
        %dma_start3A_51 = arith.constant 0 : i32
        %dma_start3A_52 = tpu.memref_slice %arg3[%add3A_47, %add3A, %dma_start3A_51] : memref<26x32x100000xf32, #tpu.memory_space<hbm>> -> memref<1x1x100000xf32, #tpu.memory_space<hbm>>
        %dma_start3A_53 = tpu.memref_squeeze %dma_start3A_52 : memref<1x1x100000xf32, #tpu.memory_space<hbm>> -> memref<100000xf32, #tpu.memory_space<hbm>>
        tpu.enqueue_dma source(%dma_start3A_53 : memref<100000xf32, #tpu.memory_space<hbm>>) target(%arg5 : memref<100000xf32, #tpu.memory_space<vmem>>) target_semaphore(%arg8 : memref<!tpu.dma_semaphore, #tpu.memory_space<semaphore_mem>>)
        %add3A_54 = arith.constant 1 : i32
        %add3A_55 = arith.addi %scan3A_19, %add3A_54 : i32
        %dma_start3A_56 = arith.constant 0 : i32
        %dma_start3A_57 = tpu.memref_slice %arg2[%add3A_55, %dma_start3A_56] : memref<26x16384xi32, #tpu.memory_space<hbm>> -> memref<1x16384xi32, #tpu.memory_space<hbm>>
        %dma_start3A_58 = tpu.memref_squeeze %dma_start3A_57 : memref<1x16384xi32, #tpu.memory_space<hbm>> -> memref<16384xi32, #tpu.memory_space<hbm>>
        %dma_start3A_59 = arith.constant 0 : i32
        %dma_start3A_60 = tpu.memref_slice %arg2[%add3A_55, %dma_start3A_59] : memref<26x16384xi32, #tpu.memory_space<hbm>> -> memref<1x16384xi32, #tpu.memory_space<hbm>>
        %dma_start3A_61 = tpu.memref_squeeze %dma_start3A_60 : memref<1x16384xi32, #tpu.memory_space<hbm>> -> memref<16384xi32, #tpu.memory_space<hbm>>
        tpu.enqueue_dma source(%dma_start3A_61 : memref<16384xi32, #tpu.memory_space<hbm>>) target(%arg6 : memref<16384xi32, #tpu.memory_space<vmem>>) target_semaphore(%arg9 : memref<!tpu.dma_semaphore, #tpu.memory_space<semaphore_mem>>)
      } else {
      }
      %mul3A_43 = arith.constant 32 : i32
      %mul3A_44 = arith.muli %scan3A_19, %mul3A_43 : i32
      %add3A_45 = arith.addi %mul3A_44, %add3A : i32
      "tpu.region"() ({
        %run_scoped3A = tpu.sem_alloc : memref<!tpu.dma_semaphore, #tpu.memory_space<semaphore_mem>>
        %dma_start3A_46 = arith.constant 8192 : i32
        %dma_start3A_47 = tpu.memref_slice %arg4[%add3A_45, %dma_start3A_46] : memref<832x16384xf32, #tpu.memory_space<hbm>> -> memref<1x8192xf32, #tpu.memory_space<hbm>>
        %dma_start3A_48 = tpu.memref_squeeze %dma_start3A_47 : memref<1x8192xf32, #tpu.memory_space<hbm>> -> memref<8192xf32, #tpu.memory_space<hbm>>
        %dma_start3A_49 = arith.constant 8192 : i32
        %dma_start3A_50 = tpu.memref_slice %arg4[%add3A_45, %dma_start3A_49] : memref<832x16384xf32, #tpu.memory_space<hbm>> -> memref<1x8192xf32, #tpu.memory_space<hbm>>
        %dma_start3A_51 = tpu.memref_squeeze %dma_start3A_50 : memref<1x8192xf32, #tpu.memory_space<hbm>> -> memref<8192xf32, #tpu.memory_space<hbm>>
        tpu.enqueue_dma source(%arg7 : memref<8192xf32, #tpu.memory_space<vmem>>) target(%dma_start3A_51 : memref<8192xf32, #tpu.memory_space<hbm>>) target_semaphore(%run_scoped3A : memref<!tpu.dma_semaphore, #tpu.memory_space<semaphore_mem>>)
        %dma_wait3A_52 = arith.constant 8192 : i32
        %dma_wait3A_53 = tpu.memref_slice %arg4[%add3A_45, %dma_wait3A_52] : memref<832x16384xf32, #tpu.memory_space<hbm>> -> memref<1x8192xf32, #tpu.memory_space<hbm>>
        %dma_wait3A_54 = tpu.memref_squeeze %dma_wait3A_53 : memref<1x8192xf32, #tpu.memory_space<hbm>> -> memref<8192xf32, #tpu.memory_space<hbm>>
        %dma_wait3A_55 = arith.constant 8192 : i32
        %dma_wait3A_56 = tpu.memref_slice %arg4[%add3A_45, %dma_wait3A_55] : memref<832x16384xf32, #tpu.memory_space<hbm>> -> memref<1x8192xf32, #tpu.memory_space<hbm>>
        %dma_wait3A_57 = tpu.memref_squeeze %dma_wait3A_56 : memref<1x8192xf32, #tpu.memory_space<hbm>> -> memref<8192xf32, #tpu.memory_space<hbm>>
        tpu.wait_dma2 semaphore(%run_scoped3A : memref<!tpu.dma_semaphore, #tpu.memory_space<semaphore_mem>>) src(%arg7 : memref<8192xf32, #tpu.memory_space<vmem>>) dst(%dma_wait3A_57 : memref<8192xf32, #tpu.memory_space<hbm>>)
        tpu.yield
      }) : () -> ()
    }
    %scan3A_18 = arith.constant 26 : i32
    return
  }
}

</mosaic_0001>

<sc_bundles>
// kernel: kernel.3.cloned.1.call-start
scs
__scs_entry_jumppad:
0x0: {  	(pc) =	sbr.rel $0x88, $3  }
0x1: {  	(tag) =	ssettag $0x0;
	lr =	simm.s32 $0x1  }
0x2: {  	[smem:$0x3F9F] =	sst lr;
	_ =	strace $0xD0000000  }
0x3: {  	_ = 	snop  }
0x4: {  	_ = 	snop  }
0x5: {  	_ = 	snop  }
0x6: {  	_ = 	snop  }
0x7: {  	_ = 	snop  }
__scs_overlays_trampoline_lowered:
0x8: {  	[smem:$0x3FAE] =	sst s0  }
0x9: {  	[smem:$0x3FAF] =	sst s1  }
0xa: {  	[smem:$0x3FB0] =	sst s2  }
0xb: {  	[smem:$0x3FB1] =	sst s3  }
0xc: {  	[smem:$0x3FB2] =	sst s4  }
0xd: {  	[smem:$0x3FB3] =	sst s5  }
0xe: {  	[smem:$0x3FB4] =	sst s6  }
0xf: {  	[smem:$0x3FB5] =	sst s7  }
0x10: {  	[smem:$0x3FB6] =	sst s8  }
0x11: {  	[smem:$0x3FB7] =	sst s9;
	s0 =	simm.s32 @!p0 $0x0  }
0x12: {  	s1 =	sld [smem:$0x3F9D];
	s0 =	simm.s32 @p0 $0x1  }
0x13: {  	[smem:$0x3FB8] =	sst s0;
	s0 =	simm.s32 @!p1 $0x0  }
0x14: {  	s2 =	sld [smem:$0x3F9C];
	s0 =	simm.s32 @p1 $0x1  }
0x15: {  	[smem:$0x3FB9] =	sst s0;
	s0 =	simm.s32 @!p2 $0x0  }
0x16: {  	s3 =	sld [smem:$0x3FDB];
	s0 =	simm.s32 @p2 $0x1  }
0x17: {  	s4 =	simm.s32 $0x1BF5;
	[smem:$0x3FBB] =	sst s0  }
0x18: {  	s0 =	sld [smem:$0x3F9E];
	_ =	swait.ge [sflag:s4], $0x0  }
0x19: {  	s7 =	sld [smem:$0x3F9F]  }
0x1a: {  	s8 =	sadd.s32 $0xFFFFE003, lr  }
0x1b: {  	s9 =	sadd.s32 $0xFFFFFEF7, lr;
	s5 =	simm.s32 $0xFFFFFFFF;
	p2 =	slt.u32 s8, $0xFFFFF086  }
0x1c: {  	p1 =	slt.u32 s9, $0xF7A;
	s5 =	simm.s32 @!p2 $0x0  }
0x1d: {  	s5 =	simm.s32 @p1 $0x1;
	p0 =	seq.s32 s7, s2  }
0x1e: {  	s7 =	smul.u32 @!p0 $0xF7A, s2;
	p2 =	seq.s32 @!p0 s5, $0x0  }
0x1f: {  	s9 =	smul.u32 $0xF7A, s1;
	s8 =	simm.s32 @!p0 $0x1BF5;
	p2 =	por !p2, p0  }
0x20: {  	[sflag:s8] =	ssyncset.s32 @!p0 $0xFFFFF086;
	s6 =	sadd.s32 @!p0 s3, s7;
	s7 =	simm.s32 @!p0 $0x108  }
0x21: {  	s3 =	sadd.s32 s3, s9;
	s6 =	sadd.s32 @!p0 $0x88, s6;
	s7 =	simm.s32 @p2 $0x1082  }
0x22: {  	[simem:s7], [sflag:s8] =	dma.local @!p0 [hbm:s6], $0xF7A  }
0x23: {  	s9 =	sor.u32 $0xD0000000, s2;
	s6 =	simm.s32 $0x108;
	_ =	swait.ge @!p0 [sflag:s8], $0x0  }
0x24: {  	s3 =	sadd.s32 $0x88, s3;
	s6 =	simm.s32 @!p1 $0x1082;
	[sflag:s4] =	ssyncset.s32 $0xFFFFF086  }
0x25: {  	[simem:s6], [sflag:s4] =	dma.local [hbm:s3], $0xF7A  }
0x26: {  	[smem:$0x3F9F] =	sst s1;
	(tag) =	ssettag s2;
	_ =	strace s9  }
0x27: {  	s1 =	sld [smem:$0x3FAF]  }
0x28: {  	s2 =	sld [smem:$0x3FB0]  }
0x29: {  	s4 =	sld [smem:$0x3FB2]  }
0x2a: {  	p0 =	seq.s32 s5, $0x0;
	s5 =	sld [smem:$0x3FB3]  }
0x2b: {  	s6 =	sld [smem:$0x3FB4]  }
0x2c: {  	s7 =	sld [smem:$0x3FB5]  }
0x2d: {  	s3 =	simm.s32 $0x108;
	s8 =	sld [smem:$0x3FB6]  }
0x2e: {  	s3 =	simm.s32 @!p0 $0x1082;
	s9 =	sld [smem:$0x3FB7]  }
0x2f: {  	lr =	sadd.s32 s0, s3;
	s0 =	sld [smem:$0x3FAE]  }
0x30: {  	s3 =	sld [smem:$0x3FB1]  }
0x31: {  	[smem:$0x3FBA] =	sst s10  }
0x32: {  	s10 =	sld [smem:$0x3FB8];
	_ =	sdelay $0x3  }
0x33: {  	p0 =	seq.s32 s10, $0x1;
	s10 =	sld [smem:$0x3FBA];
	_ =	sdelay $0x3  }
0x34: {  	[smem:$0x3FBA] =	sst s10  }
0x35: {  	s10 =	sld [smem:$0x3FB9];
	_ =	sdelay $0x3  }
0x36: {  	p1 =	seq.s32 s10, $0x1;
	s10 =	sld [smem:$0x3FBA];
	_ =	sdelay $0x3  }
0x37: {  	[smem:$0x3FBA] =	sst s10  }
0x38: {  	s10 =	sld [smem:$0x3FBB]  }
0x39: {  	_ = 	snop;
	(pc) =	sbr.ind lr, $3  }
0x3a: {  	_ = 	snop  }
0x3b: {  	_ = 	snop  }
0x3c: {  	p2 =	seq.s32 s10, $0x1;
	s10 =	sld [smem:$0x3FBA]  }
0x3d: {  	_ =	shalt  }
0x3e: {  	_ =	shalt  }
0x3f: {  	_ =	shalt  }
0x40: {  	_ =	shalt  }
0x41: {  	_ =	shalt  }
0x42: {  	_ =	shalt  }
0x43: {  	_ =	shalt  }
0x44: {  	_ =	shalt  }
0x45: {  	_ =	shalt  }
0x46: {  	_ =	shalt  }
0x47: {  	_ =	shalt  }
0x48: {  	_ =	shalt  }
0x49: {  	_ =	shalt  }
0x4a: {  	_ =	shalt  }
0x4b: {  	_ =	shalt  }
0x4c: {  	_ =	shalt  }
0x4d: {  	_ =	shalt  }
0x4e: {  	_ =	shalt  }
0x4f: {  	_ =	shalt  }
0x50: {  	_ =	shalt  }
0x51: {  	_ =	shalt  }
0x52: {  	_ =	shalt  }
0x53: {  	_ =	shalt  }
0x54: {  	_ =	shalt  }
0x55: {  	_ =	shalt  }
0x56: {  	_ =	shalt  }
0x57: {  	_ =	shalt  }
0x58: {  	_ =	shalt  }
0x59: {  	_ =	shalt  }
0x5a: {  	_ =	shalt  }
0x5b: {  	_ =	shalt  }
0x5c: {  	_ =	shalt  }
0x5d: {  	_ =	shalt  }
0x5e: {  	_ =	shalt  }
0x5f: {  	_ =	shalt  }
0x60: {  	_ =	shalt  }
0x61: {  	_ =	shalt  }
0x62: {  	_ =	shalt  }
0x63: {  	_ =	shalt  }
0x64: {  	_ =	shalt  }
0x65: {  	_ =	shalt  }
0x66: {  	_ =	shalt  }
0x67: {  	_ =	shalt  }
0x68: {  	_ =	shalt  }
0x69: {  	_ =	shalt  }
0x6a: {  	_ =	shalt  }
0x6b: {  	_ =	shalt  }
0x6c: {  	_ =	shalt  }
0x6d: {  	_ =	shalt  }
0x6e: {  	_ =	shalt  }
0x6f: {  	_ =	shalt  }
0x70: {  	_ =	shalt  }
0x71: {  	_ =	shalt  }
0x72: {  	_ =	shalt  }
0x73: {  	_ =	shalt  }
0x74: {  	_ =	shalt  }
0x75: {  	_ =	shalt  }
0x76: {  	_ =	shalt  }
0x77: {  	_ =	shalt  }
0x78: {  	_ =	shalt  }
0x79: {  	_ =	shalt  }
0x7a: {  	_ =	shalt  }
0x7b: {  	_ =	shalt  }
0x7c: {  	_ =	shalt  }
0x7d: {  	_ =	shalt  }
0x7e: {  	_ =	shalt  }
0x7f: {  	_ =	shalt  }
0x80: {  	_ =	shalt  }
0x81: {  	_ =	shalt  }
0x82: {  	_ =	shalt  }
0x83: {  	_ =	shalt  }
0x84: {  	_ =	shalt  }
0x85: {  	_ =	shalt  }
0x86: {  	_ =	shalt  }
0x87: {  	_ =	shalt  }
.Lfunc_end0:
.L_simem_size_0:
called_computation_lowered:
.L_overlay_start_0:
0x88: {  	s2 =	sld [smem:$0x3FD9]  }
0x89: {  	s3 =	sld [smem:$0x3FFE];
	_ =	sdelay $0x1  }
0x8a: {  	s1 =	srdreg.scid  }
0x8b: {  	s0 =	sand.u32 $0x1, s1  }
0x8c: {  	s18 =	sshll.u32 s0, $0xA;
	s2 =	sadd.s32 s3, s2  }
0x8d: {  	s2 =	sadd.s32 s2, s18  }
0x8e: {  	[smem:$0x3FC6] =	sst s2  }
0x8f: {  	_ = 	snop  }
0x90: {  	s2 =	sld [smem:$0x3FC9]  }
0x91: {  	s19 =	sld [smem:$0x3FC8]  }
0x92: {  	s4 =	sld [smem:$0x3FD0];
	(tm) =	ssettm $0x1  }
0x93: {  	s5 =	sld [smem:$0x3FFB];
	_ =	sdelay $0x3  }
0x94: {  	_ =	strace s5  }
0x95: {  	s5 =	sld [smem:$0x3FFC];
	_ =	sdelay $0x3  }
0x96: {  	_ =	strace s5  }
0x97: {  	s5 =	sld [smem:$0x3FFD];
	_ =	sdelay $0x3  }
0x98: {  	_ =	strace s5  }
0x99: {  	_ =	strace $0x8FFFFFFF  }
0x9a: {  	s20 =	sld [smem:$0x3FDB];
	_ =	sdelay $0x1  }
0x9b: {  	s6 =	simm.s32 $_scs_section_size  }
0x9c: {  	s7 =	simm.s32 $_size__tile_overlayer_lowered;
	s8 =	simm.s32 $_tile_overlayer_lowered  }
0x9d: {  	s23 =	simm.s32 $0x1BFF;
	s22 =	sshll.u32 s8, $0x1;
	s5 =	sadd.s32 s6, s20  }
0x9e: {  	s9 =	simm.s32 $0x0;
	s21 =	sshll.u32 s7, $0x1;
	s7 =	sadd.s32 s22, s5  }
0x9f: {  	[timem:s9], [sflag:s23] =	dma.local [hbm:s7], s21  }
0xa0: {  	_ =	swait.ge [sflag:s23], s21  }
0xa1: {  	s6 =	ssub.s32 $0x0, s21;
	[sflag:s23] =	ssyncset.done $0x0  }
0xa2: {  	[sflag:s23] =	ssyncadd.s32 s6;
	_ =	sdelay $0x1  }
0xa3: {  	s24 =	simm.s32 $0x1B8B  }
0xa4: {  	_ =	swait.ge [sflag:s24], $0x1  }
0xa5: {  	[sflag:s24] =	ssyncset.done $0x0  }
0xa6: {  	s25 =	simm.s32 $0x1B8E;
	[sflag:s24] =	ssyncadd.s32 $0xFFFFFFFF  }
0xa7: {  	s26 =	simm.s32 $execute0_lowered;
	[smem:$0x3FD2] =	sst s25  }
0xa8: {  	s6 =	sshll.u32 s26, $0x1;
	_ =	strace $0x80000046;
	[dreg:$0x1] =	wrdreg $0xFFFFFFFF  }
0xa9: {  	s28 =	simm.s32 $_size_execute0_lowered;
	s5 =	sadd.s32 s5, s6;
	[dreg:$0x0] =	wrdreg $0x0  }
0xaa: {  	s6 =	sshll.u32 s28, $0x1;
	[dreg:$0x2] =	wrdreg s5  }
0xab: {  	[dreg:$0x3] =	wrdreg s6  }
0xac: {  	[dreg:$0x4] =	wrdreg $0xC0  }
0xad: {  	_ =	task [dreg:s9], $0x5FFFF  }
0xae: {  	[dreg:$0x1] =	wrdreg $0xFFFFFFFF  }
0xaf: {  	[dreg:$0x0] =	wrdreg $0x60  }
0xb0: {  	[dreg:$0x2] =	wrdreg s2  }
0xb1: {  	[dreg:$0x3] =	wrdreg s19  }
0xb2: {  	[dreg:$0x4] =	wrdreg s4  }
0xb3: {  	[dreg:$0x5] =	wrdreg $0x9  }
0xb4: {  	_ =	task.clear_ibuf [dreg:s9], $0x6FFFF;
	_ =	strace $0x90000046  }
0xb5: {  	s29 =	simm.s32 $0x9;
	_ =	strace $0x80000048  }
0xb6: {  	_ =	swait.ge [sflag:s29], $0x1  }
0xb7: {  	[sflag:s29] =	ssyncadd.s32 $0xFFFFFFFF  }
0xb8: {  	_ =	strace $0x90000048  }
0xb9: {  	_ =	sfence  }
0xba: {  	s30 =	sld [smem:$0x0];
	_ =	sdelay $0x2  }
0xbb: {  	s31 =	sshll.u32 s1, $0xD;
	s1 =	sshrl.u32 s1, $0x2  }
0xbc: {  	s3 =	sand.u32 $0x4000, s31;
	s1 =	sadd.s32 s1, s30  }
0xbd: {  	s0 =	sor.u32 s3, s0;
	s1 =	sshll.u32 s1, $0x11  }
0xbe: {  	s0 =	sor.u32 s1, s0  }
0xbf: {  	s0 =	sadd.s32 $0x8F2B, s0  }
0xc0: {  	[sflag:s0] =	ssyncadd.remote.s32 $0x1  }
0xc1: {  	_ =	sfence.sel $0xFFFF  }
0xc2: {  	[dreg:$0x0] =	wrdreg $0xFFFFFFFF;
	(pc) =	sbr.abs _section_cstart, $3  }
0xc3: {  	[dreg:$0x1] =	wrdreg $0xFFFFFFFF  }
0xc4: {  	_ =	task.clear_ibuf [dreg:s9], $0x2FFFF;
	_ =	strace $0x9FFFFFFF  }
0xc5: {  	(tm) =	ssettm $0x7FFFFFFF  }
tec
execute0_lowered:
.L_overlay_start_1:
0x0: {  	(tag) =	ssettag $0x1  }
0x1: {  	s1 =	rddreg [dreg:$0x0]  }
0x2: {  	s2 =	rddreg [dreg:$0x1]  }
0x3: {  	s4 =	rddreg [dreg:$0x2]  }
0x4: {  	s0 =	rddreg [dreg:$0x3]  }
0x5: {  	s5 =	simm.s32 $0x0;
	s6 =	srdreg.scid;
	s3 =	stileid.u32  }
0x6: {  	s12 =	simm.s32 $0x80;
	s13 =	simm.s32 $0x400;
	s14 =	simm.s32 $0x18700  }
0x7: {  	s15 =	simm.s32 $0x1;
	s16 =	simm.s32 $0x2;
	s17 =	simm.s32 $0x1C700  }
0x8: {  	s18 =	simm.s32 $0x3;
	s19 =	simm.s32 $0x0;
	s6 =	sand.u32 $0x1, s6  }
0x9: {  	s7 =	sshrl.u32 s3, $0x2;
	s8 =	sshll.u32 s3, $0x8;
	[smem:$0x7FF] =	sst s5  }
0xa: {  	s7 =	smul.u32 $0xC3800, s7;
	s9 =	sshll.u32 s6, $0x7;
	s8 =	sand.u32 $0x300, s8  }
0xb: {  	s31 =	sshll.u32 s3, $0xF;
	s10 =	ssub.s32 $0x2, s6;
	s6 =	sor.u32 s9, s8  }
0xc: {  	_ =	strace $0x80000047;
	s29 =	sshrl.u32 s10, $0x1;
	s7 =	sor.u32 s7, s6  }
0xd: {  	s9 =	sand.u32 $0x60000, s31;
	s11 =	ssub.s32 s10, s29;
	s30 =	sshrl.u32 s7, $0x3  }
0xe: {  	s10 =	sadd.s32 $0x2000, s4;
	s11 =	smax.u32 s11, $0x1;
	s8 =	sadd.s32 s2, s30  }
.LBB2_1:
0xf: {  	[tilespmem:s5], [sflag:$0x1] =	stream.strided.gather [hbm4b:s8+s12], $0x18700, s13, s12, $0x38;
	[tilespmem:$0x1E700] =	vst v63  }
0x10: {  	s20 =	simm.s32 $0x0  }
0x11: {  	[tilespmem:s14], [sflag:$0x2] =	stream.strided.gather [hbm4b:s1+s12], $0x4000, s13, s12, $0x38;
	[tilespmem:$0x1E700] =	vst v63  }
.LBB2_2:
0x12: {  	_ =	swait.ge [sflag:s15], $0x18700  }
0x13: {  	[sflag:s15] =	ssyncset.done $0x0  }
0x14: {  	[sflag:s15] =	ssyncadd.s32 $0xFFFE7900  }
0x15: {  	_ =	swait.ge [sflag:s16], $0x4000  }
0x16: {  	[sflag:s16] =	ssyncset.done $0x0  }
0x17: {  	s21 =	simm.s32 $0x18780;
	[sflag:s16] =	ssyncadd.s32 $0xFFFFC000  }
0x18: {  	v0 =	vld [tilespmem:s21+$0x70]  }
0x19: {  	v1 =	vld [tilespmem:s21+$0xFFFFFF90]  }
0x1a: {  	v2 =	vld [tilespmem:s21+$0xFFFFFFA0]  }
0x1b: {  	v3 =	vld [tilespmem:s21+$0xFFFFFFB0]  }
0x1c: {  	v4 =	vld [tilespmem:s21+$0xFFFFFFC0]  }
0x1d: {  	v5 =	vld [tilespmem:s21+$0xFFFFFFD0]  }
0x1e: {  	v6 =	vld [tilespmem:s21+$0xFFFFFFE0]  }
0x1f: {  	v7 =	vld [tilespmem:s21+$0xFFFFFFF0]  }
0x20: {  	v8 =	vld [tilespmem:s21+$0x0]  }
0x21: {  	v9 =	vld [tilespmem:s21+$0x10]  }
0x22: {  	v10 =	vld [tilespmem:s21+$0x20]  }
0x23: {  	v11 =	vld [tilespmem:s21+$0x30]  }
0x24: {  	v12 =	vld [tilespmem:s21+$0x40]  }
0x25: {  	v13 =	vld [tilespmem:s21+$0x50]  }
0x26: {  	v14 =	vld [tilespmem:s21+$0x60]  }
0x27: {  	v15 =	vld [tilespmem:s21+$0xFFFFFF80]  }
0x28: {  	v0 =	vld.idx.msk [tilespmem:v0+s5+$0x0], $0xffff  }
0x29: {  	v1 =	vld.idx.msk [tilespmem:v1+s5+$0x0], $0xffff  }
0x2a: {  	v2 =	vld.idx.msk [tilespmem:v2+s5+$0x0], $0xffff  }
0x2b: {  	v3 =	vld.idx.msk [tilespmem:v3+s5+$0x0], $0xffff  }
0x2c: {  	v4 =	vld.idx.msk [tilespmem:v4+s5+$0x0], $0xffff  }
0x2d: {  	s22 =	simm.s32 $0x1C780;
	v5 =	vld.idx.msk [tilespmem:v5+s5+$0x0], $0xffff  }
0x2e: {  	v6 =	vld.idx.msk [tilespmem:v6+s5+$0x0], $0xffff;
	[tilespmem:s22+$0x70] =	vst v0  }
0x2f: {  	v7 =	vld.idx.msk [tilespmem:v7+s5+$0x0], $0xffff;
	[tilespmem:s22+$0xFFFFFF90] =	vst v1  }
0x30: {  	v15 =	vld.idx.msk [tilespmem:v15+s5+$0x0], $0xffff;
	[tilespmem:s22+$0xFFFFFFA0] =	vst v2  }
0x31: {  	v8 =	vld.idx.msk [tilespmem:v8+s5+$0x0], $0xffff;
	[tilespmem:s22+$0xFFFFFFB0] =	vst v3  }
0x32: {  	[tilespmem:s22+$0xFFFFFFC0] =	vst v4;
	v0 =	vld.idx.msk [tilespmem:v9+s5+$0x0], $0xffff  }
0x33: {  	[tilespmem:s22+$0xFFFFFFD0] =	vst v5;
	v1 =	vld.idx.msk [tilespmem:v10+s5+$0x0], $0xffff  }
0x34: {  	[tilespmem:s22+$0xFFFFFFE0] =	vst v6;
	v2 =	vld.idx.msk [tilespmem:v11+s5+$0x0], $0xffff  }
0x35: {  	[tilespmem:s22+$0xFFFFFFF0] =	vst v7;
	v3 =	vld.idx.msk [tilespmem:v12+s5+$0x0], $0xffff  }
0x36: {  	[tilespmem:s22+$0xFFFFFF80] =	vst v15;
	v4 =	vld.idx.msk [tilespmem:v13+s5+$0x0], $0xffff  }
0x37: {  	s23 =	simm.s32 $0x18880;
	s21 =	simm.s32 $0x0;
	[tilespmem:s22+$0x0] =	vst v8;
	v5 =	vld.idx.msk [tilespmem:v14+s5+$0x0], $0xffff  }
.LBB2_3:
0x38: {  	v6 =	vld [tilespmem:s23+$0x70];
	s21 =	sadd.s32 $0x100, s21;
	[tilespmem:s22+$0x10] =	vst v0  }
0x39: {  	v0 =	vld [tilespmem:s23+$0xFFFFFF90];
	p0 =	slt.u32 s21, $0x1F00;
	[tilespmem:s22+$0x20] =	vst v1  }
0x3a: {  	v1 =	vld [tilespmem:s23+$0xFFFFFFA0];
	[tilespmem:s22+$0x30] =	vst v2  }
0x3b: {  	v2 =	vld [tilespmem:s23+$0xFFFFFFB0];
	[tilespmem:s22+$0x40] =	vst v3  }
0x3c: {  	v3 =	vld [tilespmem:s23+$0xFFFFFFC0];
	[tilespmem:s22+$0x50] =	vst v4  }
0x3d: {  	v4 =	vld [tilespmem:s23+$0xFFFFFFD0];
	[tilespmem:s22+$0x60] =	vst v5  }
0x3e: {  	v5 =	vld [tilespmem:s23+$0xFFFFFFE0]  }
0x3f: {  	v7 =	vld [tilespmem:s23+$0xFFFFFFF0]  }
0x40: {  	v6 =	vld.idx.msk [tilespmem:v6+s5+$0x0], $0xffff  }
0x41: {  	v8 =	vld [tilespmem:s23+$0x0]  }
0x42: {  	v9 =	vld [tilespmem:s23+$0x10]  }
0x43: {  	v10 =	vld [tilespmem:s23+$0x20]  }
0x44: {  	v11 =	vld [tilespmem:s23+$0x30]  }
0x45: {  	s22 =	sadd.s32 $0x100, s22;
	v12 =	vld [tilespmem:s23+$0x40]  }
0x46: {  	v13 =	vld [tilespmem:s23+$0x50];
	[tilespmem:s22+$0x70] =	vst v6  }
0x47: {  	v6 =	vld [tilespmem:s23+$0x60]  }
0x48: {  	v14 =	vld [tilespmem:s23+$0xFFFFFF80]  }
0x49: {  	v0 =	vld.idx.msk [tilespmem:v0+s5+$0x0], $0xffff  }
0x4a: {  	v1 =	vld.idx.msk [tilespmem:v1+s5+$0x0], $0xffff  }
0x4b: {  	v2 =	vld.idx.msk [tilespmem:v2+s5+$0x0], $0xffff  }
0x4c: {  	v3 =	vld.idx.msk [tilespmem:v3+s5+$0x0], $0xffff  }
0x4d: {  	v4 =	vld.idx.msk [tilespmem:v4+s5+$0x0], $0xffff  }
0x4e: {  	v5 =	vld.idx.msk [tilespmem:v5+s5+$0x0], $0xffff  }
0x4f: {  	[tilespmem:s22+$0xFFFFFF90] =	vst v0;
	v7 =	vld.idx.msk [tilespmem:v7+s5+$0x0], $0xffff  }
0x50: {  	v14 =	vld.idx.msk [tilespmem:v14+s5+$0x0], $0xffff;
	[tilespmem:s22+$0xFFFFFFA0] =	vst v1  }
0x51: {  	[tilespmem:s22+$0xFFFFFFB0] =	vst v2;
	v8 =	vld.idx.msk [tilespmem:v8+s5+$0x0], $0xffff  }
0x52: {  	[tilespmem:s22+$0xFFFFFFC0] =	vst v3;
	v0 =	vld.idx.msk [tilespmem:v9+s5+$0x0], $0xffff  }
.Ltmp0:
0x53: {  	[tilespmem:s22+$0xFFFFFFD0] =	vst v4;
	v1 =	vld.idx.msk [tilespmem:v10+s5+$0x0], $0xffff;
	(pc) =	sbr.rel @p0 .LBB2_3-.Ltmp0, $4  }
0x54: {  	[tilespmem:s22+$0xFFFFFFE0] =	vst v5;
	v2 =	vld.idx.msk [tilespmem:v11+s5+$0x0], $0xffff  }
0x55: {  	[tilespmem:s22+$0xFFFFFFF0] =	vst v7;
	v3 =	vld.idx.msk [tilespmem:v12+s5+$0x0], $0xffff  }
0x56: {  	[tilespmem:s22+$0xFFFFFF80] =	vst v14;
	v4 =	vld.idx.msk [tilespmem:v13+s5+$0x0], $0xffff  }
0x57: {  	s23 =	sadd.s32 $0x100, s23;
	[tilespmem:s22+$0x0] =	vst v8;
	v5 =	vld.idx.msk [tilespmem:v6+s5+$0x0], $0xffff  }
0x58: {  	[tilespmem:s22+$0x10] =	vst v0  }
0x59: {  	[tilespmem:s22+$0x20] =	vst v1;
	s21 =	sshll.u32 s20, $0x13  }
0x5a: {  	[tilespmem:s22+$0x30] =	vst v2;
	s21 =	sor.u32 s21, s9  }
0x5b: {  	[tilespmem:s22+$0x40] =	vst v3;
	s21 =	sor.u32 s6, s21  }
0x5c: {  	[tilespmem:s22+$0x50] =	vst v4;
	s21 =	sshrl.u32 s21, $0x3  }
0x5d: {  	[tilespmem:s22+$0x60] =	vst v5;
	s30 =	sadd.s32 s4, s21  }
0x5e: {  	[hbm4b:s30+s12] =	stream.strided.scatter [tilespmem:s17], [sflag:$0x3], $0x2000, s13, s12, $0x38;
	[tilespmem:$0x1E700] =	vst v63  }
0x5f: {  	_ =	swait.ge [sflag:s18], $0x2000  }
0x60: {  	[sflag:s18] =	ssyncset.done $0x0  }
0x61: {  	s31 =	simm.s32 $0x1A7F0;
	[sflag:s18] =	ssyncadd.s32 $0xFFFFE000  }
0x62: {  	v0 =	vld [tilespmem:s31+$0x0]  }
0x63: {  	v1 =	vld [tilespmem:s31+$0xFFFFFF20]  }
0x64: {  	v2 =	vld [tilespmem:s31+$0xFFFFFF30]  }
0x65: {  	v3 =	vld [tilespmem:s31+$0xFFFFFF40]  }
0x66: {  	v4 =	vld [tilespmem:s31+$0xFFFFFF50]  }
0x67: {  	v5 =	vld [tilespmem:s31+$0xFFFFFF60]  }
0x68: {  	v6 =	vld [tilespmem:s31+$0xFFFFFF70]  }
0x69: {  	v7 =	vld [tilespmem:s31+$0xFFFFFF80]  }
0x6a: {  	v8 =	vld [tilespmem:s31+$0xFFFFFF90]  }
0x6b: {  	v9 =	vld [tilespmem:s31+$0xFFFFFFA0]  }
0x6c: {  	v10 =	vld [tilespmem:s31+$0xFFFFFFB0]  }
0x6d: {  	v11 =	vld [tilespmem:s31+$0xFFFFFFC0]  }
0x6e: {  	v12 =	vld [tilespmem:s31+$0xFFFFFFD0]  }
0x6f: {  	v13 =	vld [tilespmem:s31+$0xFFFFFFE0]  }
0x70: {  	v14 =	vld [tilespmem:s31+$0xFFFFFFF0]  }
0x71: {  	v15 =	vld [tilespmem:s31+$0xFFFFFF10]  }
0x72: {  	v0 =	vld.idx.msk [tilespmem:v0+s5+$0x0], $0xffff  }
0x73: {  	v1 =	vld.idx.msk [tilespmem:v1+s5+$0x0], $0xffff  }
0x74: {  	v2 =	vld.idx.msk [tilespmem:v2+s5+$0x0], $0xffff  }
0x75: {  	v3 =	vld.idx.msk [tilespmem:v3+s5+$0x0], $0xffff  }
0x76: {  	v4 =	vld.idx.msk [tilespmem:v4+s5+$0x0], $0xffff  }
0x77: {  	s22 =	simm.s32 $0x1C780;
	v5 =	vld.idx.msk [tilespmem:v5+s5+$0x0], $0xffff  }
0x78: {  	v6 =	vld.idx.msk [tilespmem:v6+s5+$0x0], $0xffff;
	[tilespmem:s22+$0x70] =	vst v0  }
0x79: {  	v7 =	vld.idx.msk [tilespmem:v7+s5+$0x0], $0xffff;
	[tilespmem:s22+$0xFFFFFF90] =	vst v1  }
0x7a: {  	v15 =	vld.idx.msk [tilespmem:v15+s5+$0x0], $0xffff;
	[tilespmem:s22+$0xFFFFFFA0] =	vst v2  }
0x7b: {  	v8 =	vld.idx.msk [tilespmem:v8+s5+$0x0], $0xffff;
	[tilespmem:s22+$0xFFFFFFB0] =	vst v3  }
0x7c: {  	[tilespmem:s22+$0xFFFFFFC0] =	vst v4;
	v1 =	vld.idx.msk [tilespmem:v9+s5+$0x0], $0xffff  }
0x7d: {  	[tilespmem:s22+$0xFFFFFFD0] =	vst v5;
	v0 =	vld.idx.msk [tilespmem:v10+s5+$0x0], $0xffff  }
0x7e: {  	[tilespmem:s22+$0xFFFFFFE0] =	vst v6;
	v2 =	vld.idx.msk [tilespmem:v11+s5+$0x0], $0xffff  }
0x7f: {  	[tilespmem:s22+$0xFFFFFFF0] =	vst v7;
	v3 =	vld.idx.msk [tilespmem:v12+s5+$0x0], $0xffff  }
0x80: {  	[tilespmem:s22+$0xFFFFFF80] =	vst v15;
	v4 =	vld.idx.msk [tilespmem:v13+s5+$0x0], $0xffff  }
0x81: {  	s23 =	simm.s32 $0x0;
	s24 =	simm.s32 $0x1A8F0;
	[tilespmem:s22+$0x0] =	vst v8;
	v5 =	vld.idx.msk [tilespmem:v14+s5+$0x0], $0xffff  }
.LBB2_5:
0x82: {  	v6 =	vld [tilespmem:s24+$0x0];
	s23 =	sadd.s32 $0x100, s23;
	[tilespmem:s22+$0x10] =	vst v1  }
0x83: {  	v1 =	vld [tilespmem:s24+$0xFFFFFF20];
	p0 =	slt.u32 s23, $0x1F00;
	[tilespmem:s22+$0x20] =	vst v0  }
0x84: {  	v0 =	vld [tilespmem:s24+$0xFFFFFF30];
	[tilespmem:s22+$0x30] =	vst v2  }
0x85: {  	v2 =	vld [tilespmem:s24+$0xFFFFFF40];
	[tilespmem:s22+$0x40] =	vst v3  }
0x86: {  	v3 =	vld [tilespmem:s24+$0xFFFFFF50];
	[tilespmem:s22+$0x50] =	vst v4  }
0x87: {  	v4 =	vld [tilespmem:s24+$0xFFFFFF60];
	[tilespmem:s22+$0x60] =	vst v5  }
0x88: {  	v5 =	vld [tilespmem:s24+$0xFFFFFF70]  }
0x89: {  	v7 =	vld [tilespmem:s24+$0xFFFFFF80]  }
0x8a: {  	v6 =	vld.idx.msk [tilespmem:v6+s5+$0x0], $0xffff  }
0x8b: {  	v8 =	vld [tilespmem:s24+$0xFFFFFF90]  }
0x8c: {  	v9 =	vld [tilespmem:s24+$0xFFFFFFA0]  }
0x8d: {  	v10 =	vld [tilespmem:s24+$0xFFFFFFB0]  }
0x8e: {  	v11 =	vld [tilespmem:s24+$0xFFFFFFC0]  }
0x8f: {  	s22 =	sadd.s32 $0x100, s22;
	v12 =	vld [tilespmem:s24+$0xFFFFFFD0]  }
0x90: {  	v13 =	vld [tilespmem:s24+$0xFFFFFFE0];
	[tilespmem:s22+$0x70] =	vst v6  }
0x91: {  	v6 =	vld [tilespmem:s24+$0xFFFFFFF0]  }
0x92: {  	v14 =	vld [tilespmem:s24+$0xFFFFFF10]  }
0x93: {  	v1 =	vld.idx.msk [tilespmem:v1+s5+$0x0], $0xffff  }
0x94: {  	v0 =	vld.idx.msk [tilespmem:v0+s5+$0x0], $0xffff  }
0x95: {  	v2 =	vld.idx.msk [tilespmem:v2+s5+$0x0], $0xffff  }
0x96: {  	v3 =	vld.idx.msk [tilespmem:v3+s5+$0x0], $0xffff  }
0x97: {  	v4 =	vld.idx.msk [tilespmem:v4+s5+$0x0], $0xffff  }
0x98: {  	v5 =	vld.idx.msk [tilespmem:v5+s5+$0x0], $0xffff  }
0x99: {  	[tilespmem:s22+$0xFFFFFF90] =	vst v1;
	v7 =	vld.idx.msk [tilespmem:v7+s5+$0x0], $0xffff  }
0x9a: {  	v14 =	vld.idx.msk [tilespmem:v14+s5+$0x0], $0xffff;
	[tilespmem:s22+$0xFFFFFFA0] =	vst v0  }
0x9b: {  	[tilespmem:s22+$0xFFFFFFB0] =	vst v2;
	v8 =	vld.idx.msk [tilespmem:v8+s5+$0x0], $0xffff  }
0x9c: {  	[tilespmem:s22+$0xFFFFFFC0] =	vst v3;
	v1 =	vld.idx.msk [tilespmem:v9+s5+$0x0], $0xffff  }
.Ltmp1:
0x9d: {  	[tilespmem:s22+$0xFFFFFFD0] =	vst v4;
	v0 =	vld.idx.msk [tilespmem:v10+s5+$0x0], $0xffff;
	(pc) =	sbr.rel @p0 .LBB2_5-.Ltmp1, $4  }
0x9e: {  	[tilespmem:s22+$0xFFFFFFE0] =	vst v5;
	v2 =	vld.idx.msk [tilespmem:v11+s5+$0x0], $0xffff  }
0x9f: {  	[tilespmem:s22+$0xFFFFFFF0] =	vst v7;
	v3 =	vld.idx.msk [tilespmem:v12+s5+$0x0], $0xffff  }
0xa0: {  	[tilespmem:s22+$0xFFFFFF80] =	vst v14;
	v4 =	vld.idx.msk [tilespmem:v13+s5+$0x0], $0xffff  }
0xa1: {  	s24 =	sadd.s32 $0x100, s24;
	[tilespmem:s22+$0x0] =	vst v8;
	v5 =	vld.idx.msk [tilespmem:v6+s5+$0x0], $0xffff  }
0xa2: {  	s23 =	sadd.s32 $0x1, s20;
	p0 =	seq.s32 s20, $0x19;
	[tilespmem:s22+$0x10] =	vst v1  }
0xa3: {  	[tilespmem:s22+$0x20] =	vst v0;
	s20 =	smul.u32 @!p0 $0x30E000, s23  }
0xa4: {  	[tilespmem:s22+$0x30] =	vst v2  }
0xa5: {  	[tilespmem:s22+$0x40] =	vst v3;
	s20 =	sadd.s32 @!p0 s7, s20  }
0xa6: {  	s24 =	simm.s32 @!p0 $0x400;
	[tilespmem:s22+$0x50] =	vst v4;
	s20 =	sshrl.u32 @!p0 s20, $0x3  }
0xa7: {  	s25 =	simm.s32 @!p0 $0x0;
	[tilespmem:s22+$0x60] =	vst v5;
	s22 =	simm.s32 @!p0 $0x80;
	s20 =	sadd.s32 @!p0 s2, s20  }
0xa8: {  	[tilespmem:s25], [sflag:$0x1] =	stream.strided.gather @!p0 [hbm4b:s20+s22], $0x18700, s24, s22, $0x38;
	[tilespmem:$0x1E700] =	vst v63  }
0xa9: {  	s20 =	sshll.u32 @!p0 s23, $0x4  }
0xaa: {  	s25 =	sshll.u32 @!p0 s23, $0xB;
	s20 =	sand.u32 @!p0 $0x70, s20  }
0xab: {  	s25 =	sand.u32 @!p0 $0x1C000, s25;
	s20 =	sadd.s32 @!p0 s1, s20  }
0xac: {  	s20 =	sadd.s32 @!p0 s25, s20;
	s25 =	simm.s32 @!p0 $0x18700  }
0xad: {  	[tilespmem:s25], [sflag:$0x2] =	stream.strided.gather @!p0 [hbm4b:s20+s22], $0x4000, s24, s22, $0x38;
	[tilespmem:$0x1E700] =	vst v63  }
0xae: {  	p0 =	sne.s32 s23, $0x1A  }
.Ltmp2:
0xaf: {  	s31 =	sadd.s32 s21, s10;
	(pc) =	sbr.rel @p0 .LBB2_2-.Ltmp2, $4  }
0xb0: {  	[hbm4b:s31+s12] =	stream.strided.scatter [tilespmem:s17], [sflag:$0x3], $0x2000, s13, s12, $0x38;
	[tilespmem:$0x1E700] =	vst v63  }
0xb1: {  	_ =	swait.ge [sflag:s18], $0x2000  }
0xb2: {  	[sflag:s18] =	ssyncset.done $0x0  }
0xb3: {  	s20 =	smov.u32 s23;
	[sflag:s18] =	ssyncadd.s32 $0xFFFFE000  }
0xb4: {  	s19 =	sadd.s32 $0x1, s19  }
0xb5: {  	p0 =	sne.s32 s19, s11  }
.Ltmp3:
0xb6: {  	_ = 	snop;
	(pc) =	sbr.rel @p0 .LBB2_1-.Ltmp3, $1  }
0xb7: {  	_ =	sdelay $0x3  }
0xb8: {  	_ =	sfence.sel $0x180000  }
0xb9: {  	[bflag:$0x0] =	sbarrier.arrive $0xFFFF  }
0xba: {  	p0 =	sne.s32 s3, $0x0;
	_ =	strace $0x90000047  }
0xbb: {  	s0 =	sadd.s32 @!p0 $0x100000, s0;
	[bflag:$0x2] =	sbarrier.arrive $0xFFFF  }
0xbc: {  	[sflag:s0] =	ssyncadd.tile.s32 @!p0 $0x1;
	_ =	shalt  }
.Lfunc_end2:
_tile_overlayer_lowered:
.L_overlay_start_2:
0xbd: {  	(tag) =	ssettag $0x2  }
0xbe: {  	s0 =	rddreg [dreg:$0x0];
	s2 =	stileid.u32  }
0xbf: {  	s1 =	rddreg [dreg:$0x1];
	p0 =	sne.s32 s2, $0x0  }
0xc0: {  	s3 =	rddreg [dreg:$0x2];
	[bflag:$0x3] =	sbarrier.arrive $0xFFFF;
	s2 =	simm.s32 @!p0 $0x1C03  }
0xc1: {  	[timem:s3], [sflag:s2] =	dma.local @!p0 [hbm:s0], s1  }
0xc2: {  	s0 =	simm.s32 @!p0 $0x3  }
0xc3: {  	_ =	swait.ge @!p0 [sflag:s0], s1  }
0xc4: {  	s1 =	ssub.s32 @!p0 $0x0, s1;
	[sflag:s0] =	ssyncset.done @!p0 $0x0  }
0xc5: {  	[sflag:s0] =	ssyncadd.s32 @!p0 s1  }
0xc6: {  	[bflag:$0x3] =	sbarrier.arrive $0xFFFF  }
0xc7: {  	_ =	shalt  }

</sc_bundles>
